<compile_context>
chip_gen: v7x
topology: tpu7x:2x2x1
jax: 0.10.2.dev20260603
libtpu: 0.0.44.dev20260713+nightly
codegen_flags: <defaults>
</compile_context>

<pallas_src>
import functools

import jax
import jax.numpy as jnp
from jax import lax
from jax.experimental import pallas as pl
from jax.experimental.pallas import tpu as pltpu
from jax.experimental.pallas import tpu_sc as plsc

TOTAL = 32768
D = 128
B = 16
NC = 2
NS = 16
L = 16
NW = NC * NS
TPW = TOTAL // NW
CH = 256
NCH = TPW // CH
G = CH // L
NB = 2

_mesh = plsc.VectorSubcoreMesh(core_axis_name="c", subcore_axis_name="s")


@functools.partial(
    pl.kernel,
    mesh=_mesh,
    out_type=(jax.ShapeDtypeStruct((TOTAL,), jnp.float32),
              jax.ShapeDtypeStruct((B + 1,), jnp.int32)),
    compiler_params=pltpu.CompilerParams(needs_layout_passes=False),
    scratch_types=[
        pltpu.VMEM((TPW,), jnp.int32),
        pltpu.VMEM((NB, CH, D), jnp.float32),
        pltpu.VMEM((TPW,), jnp.float32),
        pltpu.VMEM((D, 1), jnp.float32),
        pltpu.VMEM((1,), jnp.float32),
        pltpu.VMEM((B + 1,), jnp.int32),
        pltpu.SemaphoreType.DMA((NB,)),
        pltpu.SemaphoreType.DMA,
        pltpu.SemaphoreType.DMA,
        pltpu.SemaphoreType.DMA,
    ],
)
def _sc_cost_kernel(tokens_hbm, table_hbm, w_hbm, b_hbm, cu_hbm,
                    out_hbm, cu_out_hbm,
                    idx_v, rows, out_v, w_v, b_v, cu_v,
                    sems, wsem, bsem, isem):
    wid = lax.axis_index("s") * NC + lax.axis_index("c")
    base = wid * TPW

    wcp = pltpu.async_copy(w_hbm, w_v, wsem)
    bcp = pltpu.async_copy(b_hbm, b_v, bsem)
    icp = pltpu.async_copy(tokens_hbm.at[pl.ds(base, TPW)], idx_v, isem)
    icp.wait()

    @pl.when(wid == 0)
    def _():
        pltpu.sync_copy(cu_hbm, cu_v)
        pltpu.sync_copy(cu_v, cu_out_hbm)

    def gather_copy(c):
        slot = lax.rem(c, NB)
        return pltpu.make_async_copy(
            table_hbm.at[idx_v.at[pl.ds(pl.multiple_of(c * CH, CH), CH)]],
            rows.at[slot], sems.at[slot])

    lane = lax.broadcasted_iota(jnp.int32, (L,), 0)
    zero16 = jnp.zeros((L,), jnp.int32)
    ridx = tuple(lane + g * L for g in range(G))

    for i in range(NB - 1):
        gather_copy(i).start()
    wcp.wait()
    bcp.wait()
    bias_vec = plsc.load_gather(b_v, [zero16])

    def chunk_body(c, _):
        @pl.when(c + NB - 1 < NCH)
        def _():
            gather_copy(c + NB - 1).start()

        slot = lax.rem(c, NB)
        gather_copy(c).wait()
        bsplat = zero16 + slot

        def body(i, accs):
            k = i & (L - 1)
            blk = i - k
            boff = ((lane + k) & (L - 1)) + blk
            wv = plsc.load_gather(w_v, [boff, zero16])
            return tuple(
                accs[g] + plsc.load_gather(rows, [bsplat, ridx[g], boff]) * wv
                for g in range(G))

        accs = lax.fori_loop(0, D, body, (bias_vec,) * G)
        for g in range(G):
            out_v[pl.ds(c * CH + g * L, L)] = accs[g]
        return 0

    lax.fori_loop(0, NCH, chunk_body, 0)
    pltpu.sync_copy(out_v, out_hbm.at[pl.ds(base, TPW)])


def kernel(tokens, cu_seqlens, table, W, b):
    costs, cu_out = _sc_cost_kernel(tokens, table, W, b, cu_seqlens)
    return costs, cu_out

# --- scband reference (transcript-rebuilt; emitter-appended) ---
"""Pipeline reference for scband-symbol-cost-model-65171833749989 (READ-ONLY COPY).

The authoritative reference and input builder live on the scoring server;
editing this copy changes nothing except your own understanding.
"""

import jax, jax.numpy as jnp
import numpy as np

VOCAB = 100000
D = 128
B = 16
TOTAL = 32768

def setup_inputs(seed: int = 0) -> dict:
    key = jax.random.key(seed)
    k1, k2, k3, k4 = jax.random.split(key, 4)
    # ragged symbol tokens (flat values) + nested row splits (cu_seqlens)
    tokens = jax.random.randint(k1, (TOTAL,), 0, VOCAB, dtype=jnp.int32)
    inner = jnp.sort(jax.random.randint(k2, (B - 1,), 0, TOTAL, dtype=jnp.int32))
    cu_seqlens = jnp.concatenate([jnp.zeros((1,), jnp.int32), inner, jnp.full((1,), TOTAL, jnp.int32)])
    # problem_to_embedding modeled as a learned symbol embedding table
    table = jax.random.normal(k3, (VOCAB, D), dtype=jnp.float32) * 0.02
    # embedding_to_cost = Dense(1)
    W = jax.random.normal(k4, (D, 1), dtype=jnp.float32) * (1.0 / np.sqrt(D))
    b = jnp.zeros((1,), dtype=jnp.float32)
    return {"tokens": tokens, "cu_seqlens": cu_seqlens, "table": table, "W": W, "b": b}

def reference(tokens, cu_seqlens, table, W, b):
    # problem_to_embedding: ragged gather on flat token values
    emb = jnp.take(table, tokens, axis=0)            # [TOTAL, D] == embeddings.flat_values
    # embedding_to_cost applied to flat_values, then squeeze axis=1
    costs_flat = jnp.squeeze(emb @ W + b, axis=1)    # [TOTAL]
    # RaggedTensor.from_nested_row_splits -> (flat_values, row_splits) pair
    return costs_flat, cu_seqlens

if __name__ == "__main__":
    import jax
    _d = setup_inputs()
    print(jax.jit(kernel)(*tuple(_d.values())))

</pallas_src>

<mosaic_0001>
#map = affine_map<(d0, d1) -> (0)>
#map1 = affine_map<(d0, d1) -> (0, 0)>
module attributes {stable_mosaic.version = 14 : i64} {
  func.func @_sc_cost_kernel(%arg0: i32, %arg1: i32, %arg2: memref<32768xi32, #tpu.memory_space<hbm>>, %arg3: memref<100000x128xf32, #tpu.memory_space<hbm>>, %arg4: memref<128x1xf32, #tpu.memory_space<hbm>>, %arg5: memref<1xf32, #tpu.memory_space<hbm>>, %arg6: memref<17xi32, #tpu.memory_space<hbm>>, %arg7: memref<32768xf32, #tpu.memory_space<hbm>>, %arg8: memref<17xi32, #tpu.memory_space<hbm>>, %arg9: memref<1024xi32, #tpu.memory_space<vmem>>, %arg10: memref<2x256x128xf32, #tpu.memory_space<vmem>>, %arg11: memref<1024xf32, #tpu.memory_space<vmem>>, %arg12: memref<128x1xf32, #tpu.memory_space<vmem>>, %arg13: memref<1xf32, #tpu.memory_space<vmem>>, %arg14: memref<17xi32, #tpu.memory_space<vmem>>, %arg15: memref<2x!tpu.dma_semaphore, #tpu.memory_space<semaphore_mem>>, %arg16: memref<!tpu.dma_semaphore, #tpu.memory_space<semaphore_mem>>, %arg17: memref<!tpu.dma_semaphore, #tpu.memory_space<semaphore_mem>>, %arg18: memref<!tpu.dma_semaphore, #tpu.memory_space<semaphore_mem>>) attributes {dimension_semantics = [#tpu.dimension_semantics<core_parallel>, #tpu.dimension_semantics<subcore_parallel>], iteration_bounds = array<i64: 2, 16>, scalar_prefetch = 0 : i64, scratch_operands = 10 : i64, tpu.core_type = #tpu.core_type<sc_vector_subcore>, window_params = [{transform_indices = #map}, {transform_indices = #map1}, {transform_indices = #map1}, {transform_indices = #map}, {transform_indices = #map}, {transform_indices = #map}, {transform_indices = #map}]} {
    %mul3A = arith.constant 2 : i32
    %mul3A_0 = arith.muli %arg1, %mul3A : i32
    %add3A = arith.addi %mul3A_0, %arg0 : i32
    %mul3A_1 = arith.constant 1024 : i32
    %mul3A_2 = arith.muli %add3A, %mul3A_1 : i32
    tpu.enqueue_dma source(%arg4 : memref<128x1xf32, #tpu.memory_space<hbm>>) target(%arg12 : memref<128x1xf32, #tpu.memory_space<vmem>>) target_semaphore(%arg16 : memref<!tpu.dma_semaphore, #tpu.memory_space<semaphore_mem>>)
    tpu.enqueue_dma source(%arg5 : memref<1xf32, #tpu.memory_space<hbm>>) target(%arg13 : memref<1xf32, #tpu.memory_space<vmem>>) target_semaphore(%arg17 : memref<!tpu.dma_semaphore, #tpu.memory_space<semaphore_mem>>)
    %dma_start3A = tpu.memref_slice %arg2[%mul3A_2] : memref<32768xi32, #tpu.memory_space<hbm>> -> memref<1024xi32, #tpu.memory_space<hbm>>
    %dma_start3A_3 = tpu.memref_slice %arg2[%mul3A_2] : memref<32768xi32, #tpu.memory_space<hbm>> -> memref<1024xi32, #tpu.memory_space<hbm>>
    tpu.enqueue_dma source(%dma_start3A_3 : memref<1024xi32, #tpu.memory_space<hbm>>) target(%arg9 : memref<1024xi32, #tpu.memory_space<vmem>>) target_semaphore(%arg18 : memref<!tpu.dma_semaphore, #tpu.memory_space<semaphore_mem>>)
    %dma_wait3A = tpu.memref_slice %arg2[%mul3A_2] : memref<32768xi32, #tpu.memory_space<hbm>> -> memref<1024xi32, #tpu.memory_space<hbm>>
    %dma_wait3A_4 = tpu.memref_slice %arg2[%mul3A_2] : memref<32768xi32, #tpu.memory_space<hbm>> -> memref<1024xi32, #tpu.memory_space<hbm>>
    tpu.wait_dma2 semaphore(%arg18 : memref<!tpu.dma_semaphore, #tpu.memory_space<semaphore_mem>>) src(%dma_wait3A_4 : memref<1024xi32, #tpu.memory_space<hbm>>) dst(%arg9 : memref<1024xi32, #tpu.memory_space<vmem>>)
    %eq3A = arith.constant 0 : i32
    %eq3A_5 = arith.cmpi eq, %add3A, %eq3A : i32
    %convert_element_type3A = arith.extui %eq3A_5 : i1 to i32
    %cond3A = arith.constant 0 : i32
    %cond3A_6 = arith.cmpi ne, %convert_element_type3A, %cond3A : i32
    scf.if %cond3A_6 {
      "tpu.region"() ({
        %run_scoped3A = tpu.sem_alloc : memref<!tpu.dma_semaphore, #tpu.memory_space<semaphore_mem>>
        tpu.enqueue_dma source(%arg6 : memref<17xi32, #tpu.memory_space<hbm>>) target(%arg14 : memref<17xi32, #tpu.memory_space<vmem>>) target_semaphore(%run_scoped3A : memref<!tpu.dma_semaphore, #tpu.memory_space<semaphore_mem>>)
        tpu.wait_dma2 semaphore(%run_scoped3A : memref<!tpu.dma_semaphore, #tpu.memory_space<semaphore_mem>>) src(%arg6 : memref<17xi32, #tpu.memory_space<hbm>>) dst(%arg14 : memref<17xi32, #tpu.memory_space<vmem>>)
        tpu.yield
      }) : () -> ()
      "tpu.region"() ({
        %run_scoped3A = tpu.sem_alloc : memref<!tpu.dma_semaphore, #tpu.memory_space<semaphore_mem>>
        tpu.enqueue_dma source(%arg14 : memref<17xi32, #tpu.memory_space<vmem>>) target(%arg8 : memref<17xi32, #tpu.memory_space<hbm>>) target_semaphore(%run_scoped3A : memref<!tpu.dma_semaphore, #tpu.memory_space<semaphore_mem>>)
        tpu.wait_dma2 semaphore(%run_scoped3A : memref<!tpu.dma_semaphore, #tpu.memory_space<semaphore_mem>>) src(%arg14 : memref<17xi32, #tpu.memory_space<vmem>>) dst(%arg8 : memref<17xi32, #tpu.memory_space<hbm>>)
        tpu.yield
      }) : () -> ()
    } else {
    }
    %iota3A = tpu.iota {dimensions = array<i32: 0>} : vector<16xi32>
    %broadcast_in_dim3A = arith.constant 0 : i32
    %broadcast_in_dim3A_7 = vector.broadcast %broadcast_in_dim3A : i32 to vector<16xi32>
    %add3A_8 = arith.constant 0 : i32
    %add3A_9 = vector.broadcast %add3A_8 : i32 to vector<16xi32>
    %add3A_10 = arith.addi %iota3A, %add3A_9 : vector<16xi32>
    %add3A_11 = arith.constant 16 : i32
    %add3A_12 = vector.broadcast %add3A_11 : i32 to vector<16xi32>
    %add3A_13 = arith.addi %iota3A, %add3A_12 : vector<16xi32>
    %add3A_14 = arith.constant 32 : i32
    %add3A_15 = vector.broadcast %add3A_14 : i32 to vector<16xi32>
    %add3A_16 = arith.addi %iota3A, %add3A_15 : vector<16xi32>
    %add3A_17 = arith.constant 48 : i32
    %add3A_18 = vector.broadcast %add3A_17 : i32 to vector<16xi32>
    %add3A_19 = arith.addi %iota3A, %add3A_18 : vector<16xi32>
    %add3A_20 = arith.constant 64 : i32
    %add3A_21 = vector.broadcast %add3A_20 : i32 to vector<16xi32>
    %add3A_22 = arith.addi %iota3A, %add3A_21 : vector<16xi32>
    %add3A_23 = arith.constant 80 : i32
    %add3A_24 = vector.broadcast %add3A_23 : i32 to vector<16xi32>
    %add3A_25 = arith.addi %iota3A, %add3A_24 : vector<16xi32>
    %add3A_26 = arith.constant 96 : i32
    %add3A_27 = vector.broadcast %add3A_26 : i32 to vector<16xi32>
    %add3A_28 = arith.addi %iota3A, %add3A_27 : vector<16xi32>
    %add3A_29 = arith.constant 112 : i32
    %add3A_30 = vector.broadcast %add3A_29 : i32 to vector<16xi32>
    %add3A_31 = arith.addi %iota3A, %add3A_30 : vector<16xi32>
    %add3A_32 = arith.constant 128 : i32
    %add3A_33 = vector.broadcast %add3A_32 : i32 to vector<16xi32>
    %add3A_34 = arith.addi %iota3A, %add3A_33 : vector<16xi32>
    %add3A_35 = arith.constant 144 : i32
    %add3A_36 = vector.broadcast %add3A_35 : i32 to vector<16xi32>
    %add3A_37 = arith.addi %iota3A, %add3A_36 : vector<16xi32>
    %add3A_38 = arith.constant 160 : i32
    %add3A_39 = vector.broadcast %add3A_38 : i32 to vector<16xi32>
    %add3A_40 = arith.addi %iota3A, %add3A_39 : vector<16xi32>
    %add3A_41 = arith.constant 176 : i32
    %add3A_42 = vector.broadcast %add3A_41 : i32 to vector<16xi32>
    %add3A_43 = arith.addi %iota3A, %add3A_42 : vector<16xi32>
    %add3A_44 = arith.constant 192 : i32
    %add3A_45 = vector.broadcast %add3A_44 : i32 to vector<16xi32>
    %add3A_46 = arith.addi %iota3A, %add3A_45 : vector<16xi32>
    %add3A_47 = arith.constant 208 : i32
    %add3A_48 = vector.broadcast %add3A_47 : i32 to vector<16xi32>
    %add3A_49 = arith.addi %iota3A, %add3A_48 : vector<16xi32>
    %add3A_50 = arith.constant 224 : i32
    %add3A_51 = vector.broadcast %add3A_50 : i32 to vector<16xi32>
    %add3A_52 = arith.addi %iota3A, %add3A_51 : vector<16xi32>
    %add3A_53 = arith.constant 240 : i32
    %add3A_54 = vector.broadcast %add3A_53 : i32 to vector<16xi32>
    %add3A_55 = arith.addi %iota3A, %add3A_54 : vector<16xi32>
    %rem3A = arith.constant 0 : i32
    %rem3A_56 = arith.constant 2 : i32
    %rem3A_57 = arith.remsi %rem3A, %rem3A_56 : i32
    %multiple_of3A = arith.constant 0 : i32
    %multiple_of3A_58 = tpu.assume_multiple %multiple_of3A, 256 : i32
    %dma_start3A_59 = arith.constant 0 : i32
    %dma_start3A_60 = arith.constant 0 : i32
    %dma_start3A_61 = tpu.memref_slice %arg10[%rem3A_57, %dma_start3A_59, %dma_start3A_60] : memref<2x256x128xf32, #tpu.memory_space<vmem>> -> memref<1x256x128xf32, #tpu.memory_space<vmem>>
    %dma_start3A_62 = tpu.memref_squeeze %dma_start3A_61 : memref<1x256x128xf32, #tpu.memory_space<vmem>> -> memref<256x128xf32, #tpu.memory_space<vmem>>
    %dma_start3A_63 = tpu.memref_slice %arg9[%multiple_of3A_58] : memref<1024xi32, #tpu.memory_space<vmem>> -> memref<256xi32, #tpu.memory_space<vmem>>
    %dma_start3A_64 = arith.constant 0 : i32
    %dma_start3A_65 = arith.constant 0 : i32
    %dma_start3A_66 = tpu.memref_slice %arg3[%dma_start3A_64, %dma_start3A_65] : memref<100000x128xf32, #tpu.memory_space<hbm>> -> memref<100000x128xf32, #tpu.memory_space<hbm>>
    %dma_start3A_67 = tpu.memref_slice %arg15[%rem3A_57] : memref<2x!tpu.dma_semaphore, #tpu.memory_space<semaphore_mem>> -> memref<1x!tpu.dma_semaphore, #tpu.memory_space<semaphore_mem>>
    %dma_start3A_68 = tpu.memref_squeeze %dma_start3A_67 : memref<1x!tpu.dma_semaphore, #tpu.memory_space<semaphore_mem>> -> memref<!tpu.dma_semaphore, #tpu.memory_space<semaphore_mem>>
    tpu.enqueue_indirect_dma source(%dma_start3A_66 : memref<100000x128xf32, #tpu.memory_space<hbm>>) target(%dma_start3A_62 : memref<256x128xf32, #tpu.memory_space<vmem>>) offsets(%dma_start3A_63 : memref<256xi32, #tpu.memory_space<vmem>>) semaphore(%dma_start3A_68 : memref<!tpu.dma_semaphore, #tpu.memory_space<semaphore_mem>>)
    tpu.wait_dma2 semaphore(%arg16 : memref<!tpu.dma_semaphore, #tpu.memory_space<semaphore_mem>>) src(%arg4 : memref<128x1xf32, #tpu.memory_space<hbm>>) dst(%arg12 : memref<128x1xf32, #tpu.memory_space<vmem>>)
    tpu.wait_dma2 semaphore(%arg17 : memref<!tpu.dma_semaphore, #tpu.memory_space<semaphore_mem>>) src(%arg5 : memref<1xf32, #tpu.memory_space<hbm>>) dst(%arg13 : memref<1xf32, #tpu.memory_space<vmem>>)
    %gather3A = tpu.vector_load_idx %arg13[%broadcast_in_dim3A_7] : memref<1xf32, #tpu.memory_space<vmem>>[vector<16xi32>], vector<16xf32>,
    %scan3A = arith.constant 0 : i32
    %scan3A_69 = arith.constant 0 : i32
    %scan3A_70 = arith.constant 4 : i32
    %scan3A_71 = arith.addi %scan3A_69, %scan3A_70 : i32
    %scan3A_72 = arith.constant 1 : i32
    %scan3A_73 = scf.for %scan3A_75 = %scan3A_69 to %scan3A_71 step %scan3A_72 iter_args(%scan3A_76 = %scan3A) -> (i32)  : i32 {
      %add3A_77 = arith.constant 2 : i32
      %add3A_78 = arith.addi %scan3A_75, %add3A_77 : i32
      %sub3A = arith.constant 1 : i32
      %sub3A_79 = arith.subi %add3A_78, %sub3A : i32
      %lt3A = arith.constant 4 : i32
      %lt3A_80 = arith.cmpi slt, %sub3A_79, %lt3A : i32
      %convert_element_type3A_81 = arith.extui %lt3A_80 : i1 to i32
      %cond3A_82 = arith.constant 0 : i32
      %cond3A_83 = arith.cmpi ne, %convert_element_type3A_81, %cond3A_82 : i32
      scf.if %cond3A_83 {
        %add3A_205 = arith.constant 2 : i32
        %add3A_206 = arith.addi %scan3A_75, %add3A_205 : i32
        %sub3A_207 = arith.constant 1 : i32
        %sub3A_208 = arith.subi %add3A_206, %sub3A_207 : i32
        %rem3A_209 = arith.constant 2 : i32
        %rem3A_210 = arith.remsi %sub3A_208, %rem3A_209 : i32
        %mul3A_211 = arith.constant 256 : i32
        %mul3A_212 = arith.muli %sub3A_208, %mul3A_211 : i32
        %multiple_of3A_213 = tpu.assume_multiple %mul3A_212, 256 : i32
        %dma_start3A_214 = arith.constant 0 : i32
        %dma_start3A_215 = arith.constant 0 : i32
        %dma_start3A_216 = tpu.memref_slice %arg10[%rem3A_210, %dma_start3A_214, %dma_start3A_215] : memref<2x256x128xf32, #tpu.memory_space<vmem>> -> memref<1x256x128xf32, #tpu.memory_space<vmem>>
        %dma_start3A_217 = tpu.memref_squeeze %dma_start3A_216 : memref<1x256x128xf32, #tpu.memory_space<vmem>> -> memref<256x128xf32, #tpu.memory_space<vmem>>
        %dma_start3A_218 = tpu.memref_slice %arg9[%multiple_of3A_213] : memref<1024xi32, #tpu.memory_space<vmem>> -> memref<256xi32, #tpu.memory_space<vmem>>
        %dma_start3A_219 = arith.constant 0 : i32
        %dma_start3A_220 = arith.constant 0 : i32
        %dma_start3A_221 = tpu.memref_slice %arg3[%dma_start3A_219, %dma_start3A_220] : memref<100000x128xf32, #tpu.memory_space<hbm>> -> memref<100000x128xf32, #tpu.memory_space<hbm>>
        %dma_start3A_222 = tpu.memref_slice %arg15[%rem3A_210] : memref<2x!tpu.dma_semaphore, #tpu.memory_space<semaphore_mem>> -> memref<1x!tpu.dma_semaphore, #tpu.memory_space<semaphore_mem>>
        %dma_start3A_223 = tpu.memref_squeeze %dma_start3A_222 : memref<1x!tpu.dma_semaphore, #tpu.memory_space<semaphore_mem>> -> memref<!tpu.dma_semaphore, #tpu.memory_space<semaphore_mem>>
        tpu.enqueue_indirect_dma source(%dma_start3A_221 : memref<100000x128xf32, #tpu.memory_space<hbm>>) target(%dma_start3A_217 : memref<256x128xf32, #tpu.memory_space<vmem>>) offsets(%dma_start3A_218 : memref<256xi32, #tpu.memory_space<vmem>>) semaphore(%dma_start3A_223 : memref<!tpu.dma_semaphore, #tpu.memory_space<semaphore_mem>>)
      } else {
      }
      %rem3A_84 = arith.constant 2 : i32
      %rem3A_85 = arith.remsi %scan3A_75, %rem3A_84 : i32
      %rem3A_86 = arith.constant 2 : i32
      %rem3A_87 = arith.remsi %scan3A_75, %rem3A_86 : i32
      %mul3A_88 = arith.constant 256 : i32
      %mul3A_89 = arith.muli %scan3A_75, %mul3A_88 : i32
      %multiple_of3A_90 = tpu.assume_multiple %mul3A_89, 256 : i32
      %dma_wait3A_91 = arith.constant 0 : i32
      %dma_wait3A_92 = arith.constant 0 : i32
      %dma_wait3A_93 = tpu.memref_slice %arg10[%rem3A_87, %dma_wait3A_91, %dma_wait3A_92] : memref<2x256x128xf32, #tpu.memory_space<vmem>> -> memref<1x256x128xf32, #tpu.memory_space<vmem>>
      %dma_wait3A_94 = tpu.memref_squeeze %dma_wait3A_93 : memref<1x256x128xf32, #tpu.memory_space<vmem>> -> memref<256x128xf32, #tpu.memory_space<vmem>>
      %dma_wait3A_95 = tpu.memref_slice %arg9[%multiple_of3A_90] : memref<1024xi32, #tpu.memory_space<vmem>> -> memref<256xi32, #tpu.memory_space<vmem>>
      %dma_wait3A_96 = arith.constant 0 : i32
      %dma_wait3A_97 = arith.constant 0 : i32
      %dma_wait3A_98 = tpu.memref_slice %arg3[%dma_wait3A_96, %dma_wait3A_97] : memref<100000x128xf32, #tpu.memory_space<hbm>> -> memref<100000x128xf32, #tpu.memory_space<hbm>>
      %dma_wait3A_99 = tpu.memref_slice %arg15[%rem3A_87] : memref<2x!tpu.dma_semaphore, #tpu.memory_space<semaphore_mem>> -> memref<1x!tpu.dma_semaphore, #tpu.memory_space<semaphore_mem>>
      %dma_wait3A_100 = tpu.memref_squeeze %dma_wait3A_99 : memref<1x!tpu.dma_semaphore, #tpu.memory_space<semaphore_mem>> -> memref<!tpu.dma_semaphore, #tpu.memory_space<semaphore_mem>>
      tpu.wait_indirect_dma semaphore(%dma_wait3A_100 : memref<!tpu.dma_semaphore, #tpu.memory_space<semaphore_mem>>) src(%dma_wait3A_98 : memref<100000x128xf32, #tpu.memory_space<hbm>>) dst(%dma_wait3A_94 : memref<256x128xf32, #tpu.memory_space<vmem>>)
      %add3A_101 = vector.broadcast %rem3A_85 : i32 to vector<16xi32>
      %add3A_102 = arith.addi %broadcast_in_dim3A_7, %add3A_101 : vector<16xi32>
      %scan3A_103 = arith.constant 0 : i32
      %scan3A_104 = arith.constant 128 : i32
      %scan3A_105 = arith.addi %scan3A_103, %scan3A_104 : i32
      %scan3A_106 = arith.constant 1 : i32
      %scan3A_107:16 = scf.for %scan3A_205 = %scan3A_103 to %scan3A_105 step %scan3A_106 iter_args(%scan3A_206 = %gather3A, %scan3A_207 = %gather3A, %scan3A_208 = %gather3A, %scan3A_209 = %gather3A, %scan3A_210 = %gather3A, %scan3A_211 = %gather3A, %scan3A_212 = %gather3A, %scan3A_213 = %gather3A, %scan3A_214 = %gather3A, %scan3A_215 = %gather3A, %scan3A_216 = %gather3A, %scan3A_217 = %gather3A, %scan3A_218 = %gather3A, %scan3A_219 = %gather3A, %scan3A_220 = %gather3A, %scan3A_221 = %gather3A) -> (vector<16xf32>, vector<16xf32>, vector<16xf32>, vector<16xf32>, vector<16xf32>, vector<16xf32>, vector<16xf32>, vector<16xf32>, vector<16xf32>, vector<16xf32>, vector<16xf32>, vector<16xf32>, vector<16xf32>, vector<16xf32>, vector<16xf32>, vector<16xf32>)  : i32 {
        %and3A = arith.constant 15 : i32
        %and3A_222 = arith.andi %scan3A_205, %and3A : i32
        %sub3A_223 = arith.subi %scan3A_205, %and3A_222 : i32
        %add3A_224 = vector.broadcast %and3A_222 : i32 to vector<16xi32>
        %add3A_225 = arith.addi %iota3A, %add3A_224 : vector<16xi32>
        %and3A_226 = arith.constant 15 : i32
        %and3A_227 = vector.broadcast %and3A_226 : i32 to vector<16xi32>
        %and3A_228 = arith.andi %add3A_225, %and3A_227 : vector<16xi32>
        %add3A_229 = vector.broadcast %sub3A_223 : i32 to vector<16xi32>
        %add3A_230 = arith.addi %and3A_228, %add3A_229 : vector<16xi32>
        %gather3A_231 = tpu.vector_load_idx %arg12[%add3A_230, %broadcast_in_dim3A_7] : memref<128x1xf32, #tpu.memory_space<vmem>>[vector<16xi32>, vector<16xi32>], vector<16xf32>,
        %gather3A_232 = tpu.vector_load_idx %arg10[%add3A_102, %add3A_10, %add3A_230] : memref<2x256x128xf32, #tpu.memory_space<vmem>>[vector<16xi32>, vector<16xi32>, vector<16xi32>], vector<16xf32>,
        %mul3A_233 = arith.mulf %gather3A_232, %gather3A_231 : vector<16xf32>
        %add3A_234 = arith.addf %scan3A_206, %mul3A_233 : vector<16xf32>
        %gather3A_235 = tpu.vector_load_idx %arg10[%add3A_102, %add3A_13, %add3A_230] : memref<2x256x128xf32, #tpu.memory_space<vmem>>[vector<16xi32>, vector<16xi32>, vector<16xi32>], vector<16xf32>,
        %mul3A_236 = arith.mulf %gather3A_235, %gather3A_231 : vector<16xf32>
        %add3A_237 = arith.addf %scan3A_207, %mul3A_236 : vector<16xf32>
        %gather3A_238 = tpu.vector_load_idx %arg10[%add3A_102, %add3A_16, %add3A_230] : memref<2x256x128xf32, #tpu.memory_space<vmem>>[vector<16xi32>, vector<16xi32>, vector<16xi32>], vector<16xf32>,
        %mul3A_239 = arith.mulf %gather3A_238, %gather3A_231 : vector<16xf32>
        %add3A_240 = arith.addf %scan3A_208, %mul3A_239 : vector<16xf32>
        %gather3A_241 = tpu.vector_load_idx %arg10[%add3A_102, %add3A_19, %add3A_230] : memref<2x256x128xf32, #tpu.memory_space<vmem>>[vector<16xi32>, vector<16xi32>, vector<16xi32>], vector<16xf32>,
        %mul3A_242 = arith.mulf %gather3A_241, %gather3A_231 : vector<16xf32>
        %add3A_243 = arith.addf %scan3A_209, %mul3A_242 : vector<16xf32>
        %gather3A_244 = tpu.vector_load_idx %arg10[%add3A_102, %add3A_22, %add3A_230] : memref<2x256x128xf32, #tpu.memory_space<vmem>>[vector<16xi32>, vector<16xi32>, vector<16xi32>], vector<16xf32>,
        %mul3A_245 = arith.mulf %gather3A_244, %gather3A_231 : vector<16xf32>
        %add3A_246 = arith.addf %scan3A_210, %mul3A_245 : vector<16xf32>
        %gather3A_247 = tpu.vector_load_idx %arg10[%add3A_102, %add3A_25, %add3A_230] : memref<2x256x128xf32, #tpu.memory_space<vmem>>[vector<16xi32>, vector<16xi32>, vector<16xi32>], vector<16xf32>,
        %mul3A_248 = arith.mulf %gather3A_247, %gather3A_231 : vector<16xf32>
        %add3A_249 = arith.addf %scan3A_211, %mul3A_248 : vector<16xf32>
        %gather3A_250 = tpu.vector_load_idx %arg10[%add3A_102, %add3A_28, %add3A_230] : memref<2x256x128xf32, #tpu.memory_space<vmem>>[vector<16xi32>, vector<16xi32>, vector<16xi32>], vector<16xf32>,
        %mul3A_251 = arith.mulf %gather3A_250, %gather3A_231 : vector<16xf32>
        %add3A_252 = arith.addf %scan3A_212, %mul3A_251 : vector<16xf32>
        %gather3A_253 = tpu.vector_load_idx %arg10[%add3A_102, %add3A_31, %add3A_230] : memref<2x256x128xf32, #tpu.memory_space<vmem>>[vector<16xi32>, vector<16xi32>, vector<16xi32>], vector<16xf32>,
        %mul3A_254 = arith.mulf %gather3A_253, %gather3A_231 : vector<16xf32>
        %add3A_255 = arith.addf %scan3A_213, %mul3A_254 : vector<16xf32>
        %gather3A_256 = tpu.vector_load_idx %arg10[%add3A_102, %add3A_34, %add3A_230] : memref<2x256x128xf32, #tpu.memory_space<vmem>>[vector<16xi32>, vector<16xi32>, vector<16xi32>], vector<16xf32>,
        %mul3A_257 = arith.mulf %gather3A_256, %gather3A_231 : vector<16xf32>
        %add3A_258 = arith.addf %scan3A_214, %mul3A_257 : vector<16xf32>
        %gather3A_259 = tpu.vector_load_idx %arg10[%add3A_102, %add3A_37, %add3A_230] : memref<2x256x128xf32, #tpu.memory_space<vmem>>[vector<16xi32>, vector<16xi32>, vector<16xi32>], vector<16xf32>,
        %mul3A_260 = arith.mulf %gather3A_259, %gather3A_231 : vector<16xf32>
        %add3A_261 = arith.addf %scan3A_215, %mul3A_260 : vector<16xf32>
        %gather3A_262 = tpu.vector_load_idx %arg10[%add3A_102, %add3A_40, %add3A_230] : memref<2x256x128xf32, #tpu.memory_space<vmem>>[vector<16xi32>, vector<16xi32>, vector<16xi32>], vector<16xf32>,
        %mul3A_263 = arith.mulf %gather3A_262, %gather3A_231 : vector<16xf32>
        %add3A_264 = arith.addf %scan3A_216, %mul3A_263 : vector<16xf32>
        %gather3A_265 = tpu.vector_load_idx %arg10[%add3A_102, %add3A_43, %add3A_230] : memref<2x256x128xf32, #tpu.memory_space<vmem>>[vector<16xi32>, vector<16xi32>, vector<16xi32>], vector<16xf32>,
        %mul3A_266 = arith.mulf %gather3A_265, %gather3A_231 : vector<16xf32>
        %add3A_267 = arith.addf %scan3A_217, %mul3A_266 : vector<16xf32>
        %gather3A_268 = tpu.vector_load_idx %arg10[%add3A_102, %add3A_46, %add3A_230] : memref<2x256x128xf32, #tpu.memory_space<vmem>>[vector<16xi32>, vector<16xi32>, vector<16xi32>], vector<16xf32>,
        %mul3A_269 = arith.mulf %gather3A_268, %gather3A_231 : vector<16xf32>
        %add3A_270 = arith.addf %scan3A_218, %mul3A_269 : vector<16xf32>
        %gather3A_271 = tpu.vector_load_idx %arg10[%add3A_102, %add3A_49, %add3A_230] : memref<2x256x128xf32, #tpu.memory_space<vmem>>[vector<16xi32>, vector<16xi32>, vector<16xi32>], vector<16xf32>,
        %mul3A_272 = arith.mulf %gather3A_271, %gather3A_231 : vector<16xf32>
        %add3A_273 = arith.addf %scan3A_219, %mul3A_272 : vector<16xf32>
        %gather3A_274 = tpu.vector_load_idx %arg10[%add3A_102, %add3A_52, %add3A_230] : memref<2x256x128xf32, #tpu.memory_space<vmem>>[vector<16xi32>, vector<16xi32>, vector<16xi32>], vector<16xf32>,
        %mul3A_275 = arith.mulf %gather3A_274, %gather3A_231 : vector<16xf32>
        %add3A_276 = arith.addf %scan3A_220, %mul3A_275 : vector<16xf32>
        %gather3A_277 = tpu.vector_load_idx %arg10[%add3A_102, %add3A_55, %add3A_230] : memref<2x256x128xf32, #tpu.memory_space<vmem>>[vector<16xi32>, vector<16xi32>, vector<16xi32>], vector<16xf32>,
        %mul3A_278 = arith.mulf %gather3A_277, %gather3A_231 : vector<16xf32>
        %add3A_279 = arith.addf %scan3A_221, %mul3A_278 : vector<16xf32>
        scf.yield %add3A_234, %add3A_237, %add3A_240, %add3A_243, %add3A_246, %add3A_249, %add3A_252, %add3A_255, %add3A_258, %add3A_261, %add3A_264, %add3A_267, %add3A_270, %add3A_273, %add3A_276, %add3A_279 : vector<16xf32>, vector<16xf32>, vector<16xf32>, vector<16xf32>, vector<16xf32>, vector<16xf32>, vector<16xf32>, vector<16xf32>, vector<16xf32>, vector<16xf32>, vector<16xf32>, vector<16xf32>, vector<16xf32>, vector<16xf32>, vector<16xf32>, vector<16xf32>
      }
      %scan3A_108 = arith.constant 128 : i32
      %mul3A_109 = arith.constant 256 : i32
      %mul3A_110 = arith.muli %scan3A_75, %mul3A_109 : i32
      %add3A_111 = arith.constant 0 : i32
      %add3A_112 = arith.addi %mul3A_110, %add3A_111 : i32
      %swap3A = arith.index_cast %add3A_112 : i32 to index
      %swap3A_113 = tpu.vector_load %arg11[%swap3A] {strides = array<i32>} : memref<1024xf32, #tpu.memory_space<vmem>>, vector<16xf32>,
      tpu.vector_store %arg11[%swap3A], %scan3A_107#0 {strides = array<i32>} : memref<1024xf32, #tpu.memory_space<vmem>>, vector<16xf32>,
      %mul3A_114 = arith.constant 256 : i32
      %mul3A_115 = arith.muli %scan3A_75, %mul3A_114 : i32
      %add3A_116 = arith.constant 16 : i32
      %add3A_117 = arith.addi %mul3A_115, %add3A_116 : i32
      %swap3A_118 = arith.index_cast %add3A_117 : i32 to index
      %swap3A_119 = tpu.vector_load %arg11[%swap3A_118] {strides = array<i32>} : memref<1024xf32, #tpu.memory_space<vmem>>, vector<16xf32>,
      tpu.vector_store %arg11[%swap3A_118], %scan3A_107#1 {strides = array<i32>} : memref<1024xf32, #tpu.memory_space<vmem>>, vector<16xf32>,
      %mul3A_120 = arith.constant 256 : i32
      %mul3A_121 = arith.muli %scan3A_75, %mul3A_120 : i32
      %add3A_122 = arith.constant 32 : i32
      %add3A_123 = arith.addi %mul3A_121, %add3A_122 : i32
      %swap3A_124 = arith.index_cast %add3A_123 : i32 to index
      %swap3A_125 = tpu.vector_load %arg11[%swap3A_124] {strides = array<i32>} : memref<1024xf32, #tpu.memory_space<vmem>>, vector<16xf32>,
      tpu.vector_store %arg11[%swap3A_124], %scan3A_107#2 {strides = array<i32>} : memref<1024xf32, #tpu.memory_space<vmem>>, vector<16xf32>,
      %mul3A_126 = arith.constant 256 : i32
      %mul3A_127 = arith.muli %scan3A_75, %mul3A_126 : i32
      %add3A_128 = arith.constant 48 : i32
      %add3A_129 = arith.addi %mul3A_127, %add3A_128 : i32
      %swap3A_130 = arith.index_cast %add3A_129 : i32 to index
      %swap3A_131 = tpu.vector_load %arg11[%swap3A_130] {strides = array<i32>} : memref<1024xf32, #tpu.memory_space<vmem>>, vector<16xf32>,
      tpu.vector_store %arg11[%swap3A_130], %scan3A_107#3 {strides = array<i32>} : memref<1024xf32, #tpu.memory_space<vmem>>, vector<16xf32>,
      %mul3A_132 = arith.constant 256 : i32
      %mul3A_133 = arith.muli %scan3A_75, %mul3A_132 : i32
      %add3A_134 = arith.constant 64 : i32
      %add3A_135 = arith.addi %mul3A_133, %add3A_134 : i32
      %swap3A_136 = arith.index_cast %add3A_135 : i32 to index
      %swap3A_137 = tpu.vector_load %arg11[%swap3A_136] {strides = array<i32>} : memref<1024xf32, #tpu.memory_space<vmem>>, vector<16xf32>,
      tpu.vector_store %arg11[%swap3A_136], %scan3A_107#4 {strides = array<i32>} : memref<1024xf32, #tpu.memory_space<vmem>>, vector<16xf32>,
      %mul3A_138 = arith.constant 256 : i32
      %mul3A_139 = arith.muli %scan3A_75, %mul3A_138 : i32
      %add3A_140 = arith.constant 80 : i32
      %add3A_141 = arith.addi %mul3A_139, %add3A_140 : i32
      %swap3A_142 = arith.index_cast %add3A_141 : i32 to index
      %swap3A_143 = tpu.vector_load %arg11[%swap3A_142] {strides = array<i32>} : memref<1024xf32, #tpu.memory_space<vmem>>, vector<16xf32>,
      tpu.vector_store %arg11[%swap3A_142], %scan3A_107#5 {strides = array<i32>} : memref<1024xf32, #tpu.memory_space<vmem>>, vector<16xf32>,
      %mul3A_144 = arith.constant 256 : i32
      %mul3A_145 = arith.muli %scan3A_75, %mul3A_144 : i32
      %add3A_146 = arith.constant 96 : i32
      %add3A_147 = arith.addi %mul3A_145, %add3A_146 : i32
      %swap3A_148 = arith.index_cast %add3A_147 : i32 to index
      %swap3A_149 = tpu.vector_load %arg11[%swap3A_148] {strides = array<i32>} : memref<1024xf32, #tpu.memory_space<vmem>>, vector<16xf32>,
      tpu.vector_store %arg11[%swap3A_148], %scan3A_107#6 {strides = array<i32>} : memref<1024xf32, #tpu.memory_space<vmem>>, vector<16xf32>,
      %mul3A_150 = arith.constant 256 : i32
      %mul3A_151 = arith.muli %scan3A_75, %mul3A_150 : i32
      %add3A_152 = arith.constant 112 : i32
      %add3A_153 = arith.addi %mul3A_151, %add3A_152 : i32
      %swap3A_154 = arith.index_cast %add3A_153 : i32 to index
      %swap3A_155 = tpu.vector_load %arg11[%swap3A_154] {strides = array<i32>} : memref<1024xf32, #tpu.memory_space<vmem>>, vector<16xf32>,
      tpu.vector_store %arg11[%swap3A_154], %scan3A_107#7 {strides = array<i32>} : memref<1024xf32, #tpu.memory_space<vmem>>, vector<16xf32>,
      %mul3A_156 = arith.constant 256 : i32
      %mul3A_157 = arith.muli %scan3A_75, %mul3A_156 : i32
      %add3A_158 = arith.constant 128 : i32
      %add3A_159 = arith.addi %mul3A_157, %add3A_158 : i32
      %swap3A_160 = arith.index_cast %add3A_159 : i32 to index
      %swap3A_161 = tpu.vector_load %arg11[%swap3A_160] {strides = array<i32>} : memref<1024xf32, #tpu.memory_space<vmem>>, vector<16xf32>,
      tpu.vector_store %arg11[%swap3A_160], %scan3A_107#8 {strides = array<i32>} : memref<1024xf32, #tpu.memory_space<vmem>>, vector<16xf32>,
      %mul3A_162 = arith.constant 256 : i32
      %mul3A_163 = arith.muli %scan3A_75, %mul3A_162 : i32
      %add3A_164 = arith.constant 144 : i32
      %add3A_165 = arith.addi %mul3A_163, %add3A_164 : i32
      %swap3A_166 = arith.index_cast %add3A_165 : i32 to index
      %swap3A_167 = tpu.vector_load %arg11[%swap3A_166] {strides = array<i32>} : memref<1024xf32, #tpu.memory_space<vmem>>, vector<16xf32>,
      tpu.vector_store %arg11[%swap3A_166], %scan3A_107#9 {strides = array<i32>} : memref<1024xf32, #tpu.memory_space<vmem>>, vector<16xf32>,
      %mul3A_168 = arith.constant 256 : i32
      %mul3A_169 = arith.muli %scan3A_75, %mul3A_168 : i32
      %add3A_170 = arith.constant 160 : i32
      %add3A_171 = arith.addi %mul3A_169, %add3A_170 : i32
      %swap3A_172 = arith.index_cast %add3A_171 : i32 to index
      %swap3A_173 = tpu.vector_load %arg11[%swap3A_172] {strides = array<i32>} : memref<1024xf32, #tpu.memory_space<vmem>>, vector<16xf32>,
      tpu.vector_store %arg11[%swap3A_172], %scan3A_107#10 {strides = array<i32>} : memref<1024xf32, #tpu.memory_space<vmem>>, vector<16xf32>,
      %mul3A_174 = arith.constant 256 : i32
      %mul3A_175 = arith.muli %scan3A_75, %mul3A_174 : i32
      %add3A_176 = arith.constant 176 : i32
      %add3A_177 = arith.addi %mul3A_175, %add3A_176 : i32
      %swap3A_178 = arith.index_cast %add3A_177 : i32 to index
      %swap3A_179 = tpu.vector_load %arg11[%swap3A_178] {strides = array<i32>} : memref<1024xf32, #tpu.memory_space<vmem>>, vector<16xf32>,
      tpu.vector_store %arg11[%swap3A_178], %scan3A_107#11 {strides = array<i32>} : memref<1024xf32, #tpu.memory_space<vmem>>, vector<16xf32>,
      %mul3A_180 = arith.constant 256 : i32
      %mul3A_181 = arith.muli %scan3A_75, %mul3A_180 : i32
      %add3A_182 = arith.constant 192 : i32
      %add3A_183 = arith.addi %mul3A_181, %add3A_182 : i32
      %swap3A_184 = arith.index_cast %add3A_183 : i32 to index
      %swap3A_185 = tpu.vector_load %arg11[%swap3A_184] {strides = array<i32>} : memref<1024xf32, #tpu.memory_space<vmem>>, vector<16xf32>,
      tpu.vector_store %arg11[%swap3A_184], %scan3A_107#12 {strides = array<i32>} : memref<1024xf32, #tpu.memory_space<vmem>>, vector<16xf32>,
      %mul3A_186 = arith.constant 256 : i32
      %mul3A_187 = arith.muli %scan3A_75, %mul3A_186 : i32
      %add3A_188 = arith.constant 208 : i32
      %add3A_189 = arith.addi %mul3A_187, %add3A_188 : i32
      %swap3A_190 = arith.index_cast %add3A_189 : i32 to index
      %swap3A_191 = tpu.vector_load %arg11[%swap3A_190] {strides = array<i32>} : memref<1024xf32, #tpu.memory_space<vmem>>, vector<16xf32>,
      tpu.vector_store %arg11[%swap3A_190], %scan3A_107#13 {strides = array<i32>} : memref<1024xf32, #tpu.memory_space<vmem>>, vector<16xf32>,
      %mul3A_192 = arith.constant 256 : i32
      %mul3A_193 = arith.muli %scan3A_75, %mul3A_192 : i32
      %add3A_194 = arith.constant 224 : i32
      %add3A_195 = arith.addi %mul3A_193, %add3A_194 : i32
      %swap3A_196 = arith.index_cast %add3A_195 : i32 to index
      %swap3A_197 = tpu.vector_load %arg11[%swap3A_196] {strides = array<i32>} : memref<1024xf32, #tpu.memory_space<vmem>>, vector<16xf32>,
      tpu.vector_store %arg11[%swap3A_196], %scan3A_107#14 {strides = array<i32>} : memref<1024xf32, #tpu.memory_space<vmem>>, vector<16xf32>,
      %mul3A_198 = arith.constant 256 : i32
      %mul3A_199 = arith.muli %scan3A_75, %mul3A_198 : i32
      %add3A_200 = arith.constant 240 : i32
      %add3A_201 = arith.addi %mul3A_199, %add3A_200 : i32
      %swap3A_202 = arith.index_cast %add3A_201 : i32 to index
      %swap3A_203 = tpu.vector_load %arg11[%swap3A_202] {strides = array<i32>} : memref<1024xf32, #tpu.memory_space<vmem>>, vector<16xf32>,
      tpu.vector_store %arg11[%swap3A_202], %scan3A_107#15 {strides = array<i32>} : memref<1024xf32, #tpu.memory_space<vmem>>, vector<16xf32>,
      %scan3A_204 = arith.constant 0 : i32
      scf.yield %scan3A_204 : i32
    }
    %scan3A_74 = arith.constant 4 : i32
    "tpu.region"() ({
      %run_scoped3A = tpu.sem_alloc : memref<!tpu.dma_semaphore, #tpu.memory_space<semaphore_mem>>
      %dma_start3A_75 = tpu.memref_slice %arg7[%mul3A_2] : memref<32768xf32, #tpu.memory_space<hbm>> -> memref<1024xf32, #tpu.memory_space<hbm>>
      %dma_start3A_76 = tpu.memref_slice %arg7[%mul3A_2] : memref<32768xf32, #tpu.memory_space<hbm>> -> memref<1024xf32, #tpu.memory_space<hbm>>
      tpu.enqueue_dma source(%arg11 : memref<1024xf32, #tpu.memory_space<vmem>>) target(%dma_start3A_76 : memref<1024xf32, #tpu.memory_space<hbm>>) target_semaphore(%run_scoped3A : memref<!tpu.dma_semaphore, #tpu.memory_space<semaphore_mem>>)
      %dma_wait3A_77 = tpu.memref_slice %arg7[%mul3A_2] : memref<32768xf32, #tpu.memory_space<hbm>> -> memref<1024xf32, #tpu.memory_space<hbm>>
      %dma_wait3A_78 = tpu.memref_slice %arg7[%mul3A_2] : memref<32768xf32, #tpu.memory_space<hbm>> -> memref<1024xf32, #tpu.memory_space<hbm>>
      tpu.wait_dma2 semaphore(%run_scoped3A : memref<!tpu.dma_semaphore, #tpu.memory_space<semaphore_mem>>) src(%arg11 : memref<1024xf32, #tpu.memory_space<vmem>>) dst(%dma_wait3A_78 : memref<1024xf32, #tpu.memory_space<hbm>>)
      tpu.yield
    }) : () -> ()
    return
  }
}

</mosaic_0001>

<sc_bundles>
// kernel: kernel.3.cloned.1.call-start
scs
__scs_entry_jumppad:
0x0: {  	(pc) =	sbr.rel $0x88, $3  }
0x1: {  	(tag) =	ssettag $0x0;
	lr =	simm.s32 $0x1  }
0x2: {  	[smem:$0x3F9C] =	sst lr;
	_ =	strace $0xD0000000  }
0x3: {  	_ = 	snop  }
0x4: {  	_ = 	snop  }
0x5: {  	_ = 	snop  }
0x6: {  	_ = 	snop  }
0x7: {  	_ = 	snop  }
__scs_overlays_trampoline_lowered:
0x8: {  	[smem:$0x3FAB] =	sst s0  }
0x9: {  	[smem:$0x3FAC] =	sst s1  }
0xa: {  	[smem:$0x3FAD] =	sst s2  }
0xb: {  	[smem:$0x3FAE] =	sst s3  }
0xc: {  	[smem:$0x3FAF] =	sst s4  }
0xd: {  	[smem:$0x3FB0] =	sst s5  }
0xe: {  	[smem:$0x3FB1] =	sst s6  }
0xf: {  	[smem:$0x3FB2] =	sst s7  }
0x10: {  	[smem:$0x3FB3] =	sst s8  }
0x11: {  	[smem:$0x3FB4] =	sst s9;
	s0 =	simm.s32 @!p0 $0x0  }
0x12: {  	s1 =	sld [smem:$0x3F9A];
	s0 =	simm.s32 @p0 $0x1  }
0x13: {  	[smem:$0x3FB5] =	sst s0;
	s0 =	simm.s32 @!p1 $0x0  }
0x14: {  	s2 =	sld [smem:$0x3F99];
	s0 =	simm.s32 @p1 $0x1  }
0x15: {  	[smem:$0x3FB6] =	sst s0;
	s0 =	simm.s32 @!p2 $0x0  }
0x16: {  	s3 =	sld [smem:$0x3FDB];
	s0 =	simm.s32 @p2 $0x1  }
0x17: {  	s4 =	simm.s32 $0x1BF5;
	[smem:$0x3FB8] =	sst s0  }
0x18: {  	s0 =	sld [smem:$0x3F9B];
	_ =	swait.ge [sflag:s4], $0x0  }
0x19: {  	s7 =	sld [smem:$0x3F9C]  }
0x1a: {  	s8 =	sadd.s32 $0xFFFFE003, lr  }
0x1b: {  	s9 =	sadd.s32 $0xFFFFFEF7, lr;
	s5 =	simm.s32 $0xFFFFFFFF;
	p2 =	slt.u32 s8, $0xFFFFF086  }
0x1c: {  	p1 =	slt.u32 s9, $0xF7A;
	s5 =	simm.s32 @!p2 $0x0  }
0x1d: {  	s5 =	simm.s32 @p1 $0x1;
	p0 =	seq.s32 s7, s2  }
0x1e: {  	s7 =	smul.u32 @!p0 $0xF7A, s2;
	p2 =	seq.s32 @!p0 s5, $0x0  }
0x1f: {  	s9 =	smul.u32 $0xF7A, s1;
	s8 =	simm.s32 @!p0 $0x1BF5;
	p2 =	por !p2, p0  }
0x20: {  	[sflag:s8] =	ssyncset.s32 @!p0 $0xFFFFF086;
	s6 =	sadd.s32 @!p0 s3, s7;
	s7 =	simm.s32 @!p0 $0x108  }
0x21: {  	s3 =	sadd.s32 s3, s9;
	s6 =	sadd.s32 @!p0 $0x88, s6;
	s7 =	simm.s32 @p2 $0x1082  }
0x22: {  	[simem:s7], [sflag:s8] =	dma.local @!p0 [hbm:s6], $0xF7A  }
0x23: {  	s9 =	sor.u32 $0xD0000000, s2;
	s6 =	simm.s32 $0x108;
	_ =	swait.ge @!p0 [sflag:s8], $0x0  }
0x24: {  	s3 =	sadd.s32 $0x88, s3;
	s6 =	simm.s32 @!p1 $0x1082;
	[sflag:s4] =	ssyncset.s32 $0xFFFFF086  }
0x25: {  	[simem:s6], [sflag:s4] =	dma.local [hbm:s3], $0xF7A  }
0x26: {  	[smem:$0x3F9C] =	sst s1;
	(tag) =	ssettag s2;
	_ =	strace s9  }
0x27: {  	s1 =	sld [smem:$0x3FAC]  }
0x28: {  	s2 =	sld [smem:$0x3FAD]  }
0x29: {  	s4 =	sld [smem:$0x3FAF]  }
0x2a: {  	p0 =	seq.s32 s5, $0x0;
	s5 =	sld [smem:$0x3FB0]  }
0x2b: {  	s6 =	sld [smem:$0x3FB1]  }
0x2c: {  	s7 =	sld [smem:$0x3FB2]  }
0x2d: {  	s3 =	simm.s32 $0x108;
	s8 =	sld [smem:$0x3FB3]  }
0x2e: {  	s3 =	simm.s32 @!p0 $0x1082;
	s9 =	sld [smem:$0x3FB4]  }
0x2f: {  	lr =	sadd.s32 s0, s3;
	s0 =	sld [smem:$0x3FAB]  }
0x30: {  	s3 =	sld [smem:$0x3FAE]  }
0x31: {  	[smem:$0x3FB7] =	sst s10  }
0x32: {  	s10 =	sld [smem:$0x3FB5];
	_ =	sdelay $0x3  }
0x33: {  	p0 =	seq.s32 s10, $0x1;
	s10 =	sld [smem:$0x3FB7];
	_ =	sdelay $0x3  }
0x34: {  	[smem:$0x3FB7] =	sst s10  }
0x35: {  	s10 =	sld [smem:$0x3FB6];
	_ =	sdelay $0x3  }
0x36: {  	p1 =	seq.s32 s10, $0x1;
	s10 =	sld [smem:$0x3FB7];
	_ =	sdelay $0x3  }
0x37: {  	[smem:$0x3FB7] =	sst s10  }
0x38: {  	s10 =	sld [smem:$0x3FB8]  }
0x39: {  	_ = 	snop;
	(pc) =	sbr.ind lr, $3  }
0x3a: {  	_ = 	snop  }
0x3b: {  	_ = 	snop  }
0x3c: {  	p2 =	seq.s32 s10, $0x1;
	s10 =	sld [smem:$0x3FB7]  }
0x3d: {  	_ =	shalt  }
0x3e: {  	_ =	shalt  }
0x3f: {  	_ =	shalt  }
0x40: {  	_ =	shalt  }
0x41: {  	_ =	shalt  }
0x42: {  	_ =	shalt  }
0x43: {  	_ =	shalt  }
0x44: {  	_ =	shalt  }
0x45: {  	_ =	shalt  }
0x46: {  	_ =	shalt  }
0x47: {  	_ =	shalt  }
0x48: {  	_ =	shalt  }
0x49: {  	_ =	shalt  }
0x4a: {  	_ =	shalt  }
0x4b: {  	_ =	shalt  }
0x4c: {  	_ =	shalt  }
0x4d: {  	_ =	shalt  }
0x4e: {  	_ =	shalt  }
0x4f: {  	_ =	shalt  }
0x50: {  	_ =	shalt  }
0x51: {  	_ =	shalt  }
0x52: {  	_ =	shalt  }
0x53: {  	_ =	shalt  }
0x54: {  	_ =	shalt  }
0x55: {  	_ =	shalt  }
0x56: {  	_ =	shalt  }
0x57: {  	_ =	shalt  }
0x58: {  	_ =	shalt  }
0x59: {  	_ =	shalt  }
0x5a: {  	_ =	shalt  }
0x5b: {  	_ =	shalt  }
0x5c: {  	_ =	shalt  }
0x5d: {  	_ =	shalt  }
0x5e: {  	_ =	shalt  }
0x5f: {  	_ =	shalt  }
0x60: {  	_ =	shalt  }
0x61: {  	_ =	shalt  }
0x62: {  	_ =	shalt  }
0x63: {  	_ =	shalt  }
0x64: {  	_ =	shalt  }
0x65: {  	_ =	shalt  }
0x66: {  	_ =	shalt  }
0x67: {  	_ =	shalt  }
0x68: {  	_ =	shalt  }
0x69: {  	_ =	shalt  }
0x6a: {  	_ =	shalt  }
0x6b: {  	_ =	shalt  }
0x6c: {  	_ =	shalt  }
0x6d: {  	_ =	shalt  }
0x6e: {  	_ =	shalt  }
0x6f: {  	_ =	shalt  }
0x70: {  	_ =	shalt  }
0x71: {  	_ =	shalt  }
0x72: {  	_ =	shalt  }
0x73: {  	_ =	shalt  }
0x74: {  	_ =	shalt  }
0x75: {  	_ =	shalt  }
0x76: {  	_ =	shalt  }
0x77: {  	_ =	shalt  }
0x78: {  	_ =	shalt  }
0x79: {  	_ =	shalt  }
0x7a: {  	_ =	shalt  }
0x7b: {  	_ =	shalt  }
0x7c: {  	_ =	shalt  }
0x7d: {  	_ =	shalt  }
0x7e: {  	_ =	shalt  }
0x7f: {  	_ =	shalt  }
0x80: {  	_ =	shalt  }
0x81: {  	_ =	shalt  }
0x82: {  	_ =	shalt  }
0x83: {  	_ =	shalt  }
0x84: {  	_ =	shalt  }
0x85: {  	_ =	shalt  }
0x86: {  	_ =	shalt  }
0x87: {  	_ =	shalt  }
.Lfunc_end0:
.L_simem_size_0:
called_computation_lowered:
.L_overlay_start_0:
0x88: {  	s2 =	sld [smem:$0x3FD9]  }
0x89: {  	s3 =	sld [smem:$0x3FFE];
	_ =	sdelay $0x1  }
0x8a: {  	s1 =	srdreg.scid  }
0x8b: {  	s0 =	sand.u32 $0x1, s1  }
0x8c: {  	s14 =	sshll.u32 s0, $0xA;
	s2 =	sadd.s32 s3, s2  }
0x8d: {  	s2 =	sadd.s32 s2, s14  }
0x8e: {  	[smem:$0x3FC3] =	sst s2  }
0x8f: {  	_ = 	snop  }
0x90: {  	s2 =	sld [smem:$0x3FC9]  }
0x91: {  	s15 =	sld [smem:$0x3FD0]  }
0x92: {  	s4 =	sld [smem:$0x3FC8]  }
0x93: {  	s5 =	sld [smem:$0x3FC7]  }
0x94: {  	s7 =	simm.s32 $0xA;
	s8 =	simm.s32 $0x10;
	s6 =	sld [smem:$0x3FC5]  }
0x95: {  	[smem:s8], [sflag:s7] =	dma.local [hbm:s15], $0x1  }
0x96: {  	_ =	swait.eq [sflag:s7], $0x1  }
0x97: {  	[sflag:s7] =	ssyncset.done $0x0  }
0x98: {  	s16 =	sld [smem:$0x10];
	[sflag:s7] =	ssyncadd.s32 $0xFFFFFFFF  }
0x99: {  	s17 =	sld [smem:$0x11];
	(tm) =	ssettm $0x1  }
0x9a: {  	s18 =	sld [smem:$0x3FFB];
	_ =	sdelay $0x3  }
0x9b: {  	_ =	strace s18  }
0x9c: {  	s8 =	sld [smem:$0x3FFC];
	_ =	sdelay $0x3  }
0x9d: {  	_ =	strace s8  }
0x9e: {  	s8 =	sld [smem:$0x3FFD];
	_ =	sdelay $0x3  }
0x9f: {  	_ =	strace s8  }
0xa0: {  	_ =	strace $0x8FFFFFFF  }
0xa1: {  	s19 =	sld [smem:$0x3FDB];
	_ =	sdelay $0x1  }
0xa2: {  	s9 =	simm.s32 $_scs_section_size  }
0xa3: {  	s10 =	simm.s32 $_size__tile_overlayer_lowered;
	s11 =	simm.s32 $_tile_overlayer_lowered  }
0xa4: {  	s22 =	simm.s32 $0x1BFF;
	s21 =	sshll.u32 s11, $0x1;
	s8 =	sadd.s32 s9, s19  }
0xa5: {  	s12 =	simm.s32 $0x0;
	s20 =	sshll.u32 s10, $0x1;
	s10 =	sadd.s32 s21, s8  }
0xa6: {  	[timem:s12], [sflag:s22] =	dma.local [hbm:s10], s20  }
0xa7: {  	_ =	swait.ge [sflag:s22], s20  }
0xa8: {  	s9 =	ssub.s32 $0x0, s20;
	[sflag:s22] =	ssyncset.done $0x0  }
0xa9: {  	[sflag:s22] =	ssyncadd.s32 s9;
	_ =	sdelay $0x1  }
0xaa: {  	s23 =	simm.s32 $0x1B8B  }
0xab: {  	_ =	swait.ge [sflag:s23], $0x1  }
0xac: {  	[sflag:s23] =	ssyncset.done $0x0  }
0xad: {  	s25 =	simm.s32 $0x1B8E;
	s24 =	sld [smem:$0x3FFE];
	[sflag:s23] =	ssyncadd.s32 $0xFFFFFFFF  }
0xae: {  	s26 =	simm.s32 $execute0_lowered;
	[smem:$0x3FD2] =	sst s25  }
0xaf: {  	s10 =	sshll.u32 s26, $0x1;
	_ =	strace $0x80000046;
	[dreg:$0x1] =	wrdreg $0xFFFFFFFF  }
0xb0: {  	s28 =	simm.s32 $_size_execute0_lowered;
	s8 =	sadd.s32 s8, s10;
	[dreg:$0x0] =	wrdreg $0x0  }
0xb1: {  	s10 =	sshll.u32 s28, $0x1;
	[dreg:$0x2] =	wrdreg s8  }
0xb2: {  	[dreg:$0x3] =	wrdreg s10  }
0xb3: {  	[dreg:$0x4] =	wrdreg $0xC0  }
0xb4: {  	_ =	task [dreg:s12], $0x5FFFF  }
0xb5: {  	[dreg:$0x1] =	wrdreg $0xFFFFFFFF  }
0xb6: {  	[dreg:$0x0] =	wrdreg $0x60  }
0xb7: {  	[dreg:$0x2] =	wrdreg s2  }
0xb8: {  	[dreg:$0x3] =	wrdreg s5  }
0xb9: {  	[dreg:$0x4] =	wrdreg s24  }
0xba: {  	[dreg:$0x5] =	wrdreg s6  }
0xbb: {  	[dreg:$0x6] =	wrdreg s4  }
0xbc: {  	[dreg:$0x7] =	wrdreg s16  }
0xbd: {  	[dreg:$0x8] =	wrdreg s17  }
0xbe: {  	[dreg:$0x9] =	wrdreg $0x9  }
0xbf: {  	_ =	task.clear_ibuf [dreg:s12], $0xAFFFF;
	_ =	strace $0x90000046  }
0xc0: {  	s29 =	simm.s32 $0x9;
	_ =	strace $0x80000048  }
0xc1: {  	_ =	swait.ge [sflag:s29], $0x1  }
0xc2: {  	[sflag:s29] =	ssyncadd.s32 $0xFFFFFFFF  }
0xc3: {  	_ =	strace $0x90000048  }
0xc4: {  	_ =	sfence  }
0xc5: {  	s30 =	sld [smem:$0x0];
	_ =	sdelay $0x2  }
0xc6: {  	s31 =	sshll.u32 s1, $0xD;
	s1 =	sshrl.u32 s1, $0x2  }
0xc7: {  	s3 =	sand.u32 $0x4000, s31;
	s1 =	sadd.s32 s1, s30  }
0xc8: {  	s0 =	sor.u32 s3, s0;
	s1 =	sshll.u32 s1, $0x11  }
0xc9: {  	s0 =	sor.u32 s1, s0  }
0xca: {  	s0 =	sadd.s32 $0x8F2B, s0  }
0xcb: {  	[sflag:s0] =	ssyncadd.remote.s32 $0x1  }
0xcc: {  	_ =	sfence.sel $0xFFFF  }
0xcd: {  	[dreg:$0x0] =	wrdreg $0xFFFFFFFF;
	(pc) =	sbr.abs _section_cstart, $3  }
0xce: {  	[dreg:$0x1] =	wrdreg $0xFFFFFFFF  }
0xcf: {  	_ =	task.clear_ibuf [dreg:s12], $0x2FFFF;
	_ =	strace $0x9FFFFFFF  }
0xd0: {  	(tm) =	ssettm $0x7FFFFFFF  }
0xd1: {  	_ =	shalt  }
tec
execute0_lowered:
.L_overlay_start_1:
0x0: {  	(tag) =	ssettag $0x1  }
0x1: {  	s8 =	rddreg [dreg:$0x0]  }
0x2: {  	s1 =	rddreg [dreg:$0x1]  }
0x3: {  	s7 =	rddreg [dreg:$0x2]  }
0x4: {  	s2 =	rddreg [dreg:$0x3]  }
0x5: {  	s3 =	rddreg [dreg:$0x4]  }
0x6: {  	s9 =	rddreg [dreg:$0x5];
	v0 =	vlaneseq.u32  }
0x7: {  	s5 =	rddreg [dreg:$0x6];
	s6 =	simm.s32 $0x0;
	v1 =	vmul.u32 $0x80, v0  }
0x8: {  	[smem:$0x7FF] =	sst s6  }
0x9: {  	s0 =	rddreg [dreg:$0x7];
	_ =	strace $0x80000047;
	v2 =	vor.u32 $0x800, v1;
	[tilespmem:$0x1FFE0] =	vst v1  }
0xa: {  	[tilespmem:$0x1FF00] =	vst v2;
	v2 =	vor.u32 $0x1000, v1  }
0xb: {  	[tilespmem:$0x1FF10] =	vst v2;
	v2 =	vor.u32 $0x1800, v1  }
0xc: {  	[tilespmem:$0x1FF20] =	vst v2;
	v2 =	vor.u32 $0x2000, v1  }
0xd: {  	[tilespmem:$0x1FF30] =	vst v2;
	v2 =	vor.u32 $0x2800, v1  }
0xe: {  	[tilespmem:$0x1FF40] =	vst v2;
	v2 =	vor.u32 $0x3000, v1  }
0xf: {  	[tilespmem:$0x1FF50] =	vst v2;
	v2 =	vor.u32 $0x3800, v1  }
0x10: {  	[tilespmem:$0x1FF60] =	vst v2;
	v2 =	vor.u32 $0x4000, v1  }
0x11: {  	s10 =	srdreg.scid;
	s4 =	stileid.u32;
	s14 =	simm.s32 $0x100;
	[tilespmem:$0x1FF70] =	vst v2;
	v2 =	vor.u32 $0x4800, v1  }
0x12: {  	s15 =	simm.s32 $0x400;
	s16 =	simm.s32 $0x3;
	s17 =	simm.s32 $0x4;
	[tilespmem:$0x1FF80] =	vst v2;
	v2 =	vor.u32 $0x5000, v1  }
0x13: {  	s18 =	simm.s32 $0x10400;
	s19 =	simm.s32 $0x6;
	s10 =	sand.u32 $0x1, s10;
	[tilespmem:$0x1FF90] =	vst v2;
	v2 =	vor.u32 $0x5800, v1  }
0x14: {  	s20 =	simm.s32 $0x0;
	s11 =	sshll.u32 s4, $0x1;
	s12 =	ssub.s32 $0x2, s10;
	[tilespmem:$0x1FFA0] =	vst v2;
	v2 =	vor.u32 $0x6000, v1  }
0x15: {  	s7 =	sadd.s32 $0x600, s7;
	s11 =	sor.u32 s10, s11;
	s31 =	sshrl.u32 s12, $0x1;
	[tilespmem:$0x1FFB0] =	vst v2;
	v2 =	vor.u32 $0x6800, v1  }
0x16: {  	s13 =	sshll.u32 s11, $0x7;
	p0 =	sne.s32 s11, $0x0;
	s11 =	simm.s32 $0x10800;
	[tilespmem:$0x1FFC0] =	vst v2;
	v2 =	vor.u32 $0x7000, v1  }
0x17: {  	s10 =	ssub.s32 s12, s31;
	s8 =	sadd.s32 s8, s13;
	s9 =	sadd.s32 s9, s13;
	v1 =	vor.u32 $0x7800, v1;
	[tilespmem:$0x1FFD0] =	vst v2  }
0x18: {  	s12 =	simm.s32 $0x14800;
	s13 =	simm.s32 $0x5;
	s10 =	smax.u32 s10, $0x1;
	[tilespmem:$0x1FFF0] =	vst v1  }
.LBB2_1:
0x19: {  	[tilespmem:s11], [sflag:$0x3] =	stream.linear.gather [hbm4b:s7+s6], $0x4000, $0x38;
	[tilespmem:$0x14900] =	vst v63  }
0x1a: {  	_ = 	snop  }
0x1b: {  	[tilespmem:s12], [sflag:$0x4] =	stream.linear.gather [hbm4b:s2+s6], $0x80, $0x38;
	[tilespmem:$0x14900] =	vst v63  }
0x1c: {  	_ = 	snop  }
0x1d: {  	[tilespmem:s6], [sflag:$0x5] =	stream.linear.gather [hbm4b:s8+s6], $0x400, $0x38;
	[tilespmem:$0x14900] =	vst v63  }
0x1e: {  	_ =	swait.ge [sflag:s13], $0x400  }
0x1f: {  	s21 =	simm.s32 @!p0 $0x0;
	[sflag:s13] =	ssyncset.done $0x0  }
0x20: {  	s22 =	simm.s32 @!p0 $0x14880;
	s23 =	simm.s32 @!p0 $0x6;
	[sflag:s13] =	ssyncadd.s32 $0xFFFFFC00  }
0x21: {  	[tilespmem:s22], [sflag:$0x6] =	stream.linear.gather @!p0 [hbm4b:s3+s21], $0x80, $0x38;
	[tilespmem:$0x14900] =	vst v63  }
0x22: {  	_ =	swait.ge @!p0 [sflag:s23], $0x80  }
0x23: {  	[sflag:s23] =	ssyncset.done @!p0 $0x0  }
0x24: {  	[sflag:s23] =	ssyncadd.s32 @!p0 $0xFFFFFF80  }
0x25: {  	[hbm4b:s5+s21] =	stream.linear.scatter @!p0 [tilespmem:s22], [sflag:$0x6], $0x80, $0x38;
	[tilespmem:$0x14900] =	vst v63  }
0x26: {  	_ =	swait.ge @!p0 [sflag:s23], $0x80  }
0x27: {  	[sflag:s23] =	ssyncset.done @!p0 $0x0  }
0x28: {  	[sflag:s23] =	ssyncadd.s32 @!p0 $0xFFFFFF80  }
0x29: {  	[tilespmem:s15], [sflag:$0x1] =	stream.indirect.gather [hbm4b:s1+s14], $0x80, s6, s14, $0xb8;
	[tilespmem:$0x14900] =	vst v63  }
0x2a: {  	_ =	swait.ge [sflag:s16], $0x4000  }
0x2b: {  	[sflag:s16] =	ssyncset.done $0x0  }
0x2c: {  	[sflag:s16] =	ssyncadd.s32 $0xFFFFC000  }
0x2d: {  	_ =	swait.ge [sflag:s17], $0x80  }
0x2e: {  	[sflag:s17] =	ssyncset.done $0x0  }
0x2f: {  	[sflag:s17] =	ssyncadd.s32 $0xFFFFFF80  }
0x30: {  	v1 =	vld.msk [tilespmem:s12+$0x0], $0xffff;
	_ =	sdelay $0x4  }
0x31: {  	s22 =	simm.s32 $0x0;
	[tilespmem:$0x1FEF0] =	vst v1  }
.LBB2_2:
0x32: {  	v2 =	vld [tilespmem:$0x1FFF0];
	_ =	sdelay $0x2  }
0x33: {  	s28 =	sand.u32 $0x1, s22  }
0x34: {  	s21 =	sadd.s32 $0x1, s22;
	p1 =	seq.s32 s22, $0x3;
	s31 =	sshll.u32 s28, $0xF  }
0x35: {  	s23 =	sand.u32 @!p1 $0x1, s21;
	s26 =	sshll.u32 @!p1 s21, $0x8;
	v27 =	vor.u32 s31, v2;
	v2 =	vld [tilespmem:$0x1FFE0]  }
0x36: {  	s29 =	simm.s32 @!p1 $0x100;
	s30 =	sadd.s32 $0x1, s28;
	s24 =	sshll.u32 @!p1 s23, $0xF  }
0x37: {  	s26 =	sand.u32 @!p1 $0x3FFFFF00, s26;
	s23 =	sadd.s32 @!p1 $0x1, s23;
	s24 =	sor.u32 @!p1 $0x400, s24  }
0x38: {  	[tilespmem:s24], [sflag:s23] =	stream.indirect.gather @!p1 [hbm4b:s1+s29], $0x80, s26, s29, $0xb8;
	[tilespmem:$0x14900] =	vst v63  }
0x39: {  	_ =	swait.ge [sflag:s30], $0x8000  }
0x3a: {  	v28 =	vor.u32 s31, v2;
	v2 =	vld [tilespmem:$0x1FF00];
	_ =	sdelay $0x4  }
0x3b: {  	v30 =	vor.u32 s31, v2;
	v2 =	vld [tilespmem:$0x1FF10];
	_ =	sdelay $0x4  }
0x3c: {  	v31 =	vor.u32 s31, v2;
	v2 =	vld [tilespmem:$0x1FF20];
	_ =	sdelay $0x4  }
0x3d: {  	v32 =	vor.u32 s31, v2;
	v2 =	vld [tilespmem:$0x1FF30];
	_ =	sdelay $0x4  }
0x3e: {  	v33 =	vor.u32 s31, v2;
	v2 =	vld [tilespmem:$0x1FF40];
	_ =	sdelay $0x4  }
0x3f: {  	v36 =	vor.u32 s31, v2;
	v2 =	vld [tilespmem:$0x1FF50];
	_ =	sdelay $0x4  }
0x40: {  	v39 =	vor.u32 s31, v2;
	v2 =	vld [tilespmem:$0x1FF60];
	_ =	sdelay $0x4  }
0x41: {  	v43 =	vor.u32 s31, v2;
	v2 =	vld [tilespmem:$0x1FF70];
	_ =	sdelay $0x4  }
0x42: {  	v40 =	vor.u32 s31, v2;
	v2 =	vld [tilespmem:$0x1FF80];
	_ =	sdelay $0x4  }
0x43: {  	v44 =	vor.u32 s31, v2;
	v2 =	vld [tilespmem:$0x1FF90];
	_ =	sdelay $0x4  }
0x44: {  	v41 =	vor.u32 s31, v2;
	v2 =	vld [tilespmem:$0x1FFA0];
	_ =	sdelay $0x2  }
0x45: {  	s25 =	simm.s32 $0x0  }
0x46: {  	v1 =	vadd.s32 s25, v0  }
0x47: {  	s25 =	sand.u32 $0x70, s25;
	v1 =	vand.u32 $0xF, v1;
	v45 =	vor.u32 s31, v2;
	v2 =	vld [tilespmem:$0x1FFB0]  }
0x48: {  	v1 =	vor.u32 s25, v1  }
0x49: {  	v18 =	vshll.u32 v1, $0x7  }
0x4a: {  	v20 =	vor.u32 v27, v1  }
0x4b: {  	v21 =	vor.u32 v28, v1  }
0x4c: {  	[sflag:s30] =	ssyncset.done $0x0;
	v42 =	vor.u32 s31, v2;
	v2 =	vld [tilespmem:$0x1FFC0]  }
0x4d: {  	[sflag:s30] =	ssyncadd.s32 $0xFFFF8000;
	v23 =	vor.u32 v31, v1  }
0x4e: {  	v19 =	vld.idx.msk [tilespmem:v18+s11+$0x0], $0xffff;
	v22 =	vor.u32 v30, v1  }
0x4f: {  	v20 =	vld.idx.msk [tilespmem:v20+s15+$0x0], $0xffff  }
0x50: {  	v21 =	vld.idx.msk [tilespmem:v21+s15+$0x0], $0xffff;
	v24 =	vor.u32 v32, v1  }
0x51: {  	v37 =	vor.u32 s31, v2;
	v2 =	vld [tilespmem:$0x1FFD0]  }
0x52: {  	v23 =	vld.idx.msk [tilespmem:v23+s15+$0x0], $0xffff;
	v18 =	vor.u32 v33, v1  }
0x53: {  	v22 =	vld.idx.msk [tilespmem:v22+s15+$0x0], $0xffff;
	v25 =	vor.u32 v36, v1  }
0x54: {  	v26 =	vor.u32 v39, v1  }
0x55: {  	v24 =	vld.idx.msk [tilespmem:v24+s15+$0x0], $0xffff;
	v29 =	vor.u32 v43, v1  }
0x56: {  	v38 =	vor.u32 v40, v1;
	v34 =	vor.u32 s31, v2;
	v2 =	vld [tilespmem:$0x1FEF0]  }
0x57: {  	v63 =	vmul.f32 v23, v19;
	v60 =	vld.idx.msk [tilespmem:v18+s15+$0x0], $0xffff;
	v18 =	vmul.f32 v20, v19  }
0x58: {  	v20 =	vmul.f32 v21, v19;
	v21 =	vmul.f32 v22, v19;
	v51 =	vld.idx.msk [tilespmem:v25+s15+$0x0], $0xffff;
	v46 =	vor.u32 v44, v1  }
0x59: {  	v52 =	vld.idx.msk [tilespmem:v26+s15+$0x0], $0xffff;
	v59 =	vor.u32 v41, v1;
	v58 =	vor.u32 v45, v1;
	v56 =	vor.u32 v42, v1;
	s31 =	simm.s32 $0x1  }
0x5a: {  	v55 =	vld.idx.msk [tilespmem:v29+s15+$0x0], $0xffff;
	v54 =	vor.u32 v37, v1;
	v53 =	vor.u32 v34, v1;
	v1 =	vadd.s32 s31, v0  }
0x5b: {  	v62 =	vmul.f32 v24, v19;
	v57 =	vld.idx.msk [tilespmem:v38+s15+$0x0], $0xffff;
	v1 =	vand.u32 $0xF, v1;
	v18 =	vadd.f32 v18, v2  }
0x5c: {  	v35 =	vadd.f32 v20, v2;
	v38 =	vadd.f32 v21, v2;
	v50 =	vmovc v2;
	v49 =	vmovc v2;
	v48 =	vmov v2  }
0x5d: {  	v61 =	vld.idx.msk [tilespmem:v46+s15+$0x0], $0xffff;
	v47 =	vmovc v2;
	v46 =	vmovc v2;
	v29 =	vmov v2;
	v26 =	vmov v2;
	v25 =	vmov v2  }
0x5e: {  	s23 =	simm.s32 $0x2;
	s24 =	sand.u32 $0x70, s31;
	v24 =	vmovc v2;
	v23 =	vmovc v2;
	v22 =	vmov v2;
	v21 =	vmov v2;
	v20 =	vmov v2  }
.LBB2_3:
0x5f: {  	p1 =	sne.s32 s23, $0x7F;
	v1 =	vor.u32 s24, v1;
	v50 =	vadd.f32 v63, v50;
	v60 =	vmul.f32 v60, v19;
	v63 =	vld.idx.msk [tilespmem:v59+s15+$0x0], $0xffff  }
0x60: {  	v2 =	vshll.u32 v1, $0x7;
	v3 =	vor.u32 v28, v1;
	v4 =	vor.u32 v30, v1;
	v5 =	vld.idx.msk [tilespmem:v58+s15+$0x0], $0xffff  }
0x61: {  	v6 =	vor.u32 v31, v1;
	v7 =	vor.u32 v32, v1;
	v8 =	vor.u32 v27, v1;
	v9 =	vld.idx.msk [tilespmem:v56+s15+$0x0], $0xffff  }
0x62: {  	v10 =	vor.u32 v33, v1;
	v11 =	vor.u32 v36, v1;
	v12 =	vor.u32 v39, v1;
	v13 =	vld.idx.msk [tilespmem:v54+s15+$0x0], $0xffff  }
0x63: {  	v14 =	vor.u32 v43, v1;
	v15 =	vor.u32 v40, v1;
	v16 =	vor.u32 v44, v1;
	v17 =	vld.idx.msk [tilespmem:v53+s15+$0x0], $0xffff  }
0x64: {  	v59 =	vor.u32 v41, v1;
	v58 =	vor.u32 v45, v1;
	v56 =	vor.u32 v42, v1  }
0x65: {  	v54 =	vor.u32 v37, v1;
	v53 =	vor.u32 v34, v1;
	v1 =	vmul.f32 v51, v19;
	v2 =	vld.idx.msk [tilespmem:v2+s11+$0x0], $0xffff  }
0x66: {  	v49 =	vadd.f32 v62, v49;
	v51 =	vmul.f32 v52, v19;
	v52 =	vmul.f32 v55, v19;
	v8 =	vld.idx.msk [tilespmem:v8+s15+$0x0], $0xffff  }
0x67: {  	v48 =	vadd.f32 v60, v48;
	v55 =	vmul.f32 v57, v19;
	v57 =	vmul.f32 v61, v19;
	v3 =	vld.idx.msk [tilespmem:v3+s15+$0x0], $0xffff  }
0x68: {  	v47 =	vadd.f32 v1, v47;
	v1 =	vmul.f32 v63, v19;
	v5 =	vmul.f32 v5, v19;
	v4 =	vld.idx.msk [tilespmem:v4+s15+$0x0], $0xffff  }
0x69: {  	v46 =	vadd.f32 v51, v46;
	v9 =	vmul.f32 v9, v19;
	v13 =	vmul.f32 v13, v19;
	v6 =	vld.idx.msk [tilespmem:v6+s15+$0x0], $0xffff  }
0x6a: {  	v29 =	vadd.f32 v52, v29;
	v26 =	vadd.f32 v55, v26;
	v17 =	vmul.f32 v17, v19;
	v7 =	vld.idx.msk [tilespmem:v7+s15+$0x0], $0xffff  }
0x6b: {  	v25 =	vadd.f32 v57, v25;
	v24 =	vadd.f32 v1, v24;
	v19 =	vmov v2;
	v60 =	vld.idx.msk [tilespmem:v10+s15+$0x0], $0xffff  }
.Ltmp0:
0x6c: {  	v23 =	vadd.f32 v5, v23;
	v22 =	vadd.f32 v9, v22;
	v1 =	vmul.f32 v8, v19;
	v51 =	vld.idx.msk [tilespmem:v11+s15+$0x0], $0xffff;
	(pc) =	sbr.rel @p1 .LBB2_3-.Ltmp0, $4  }
0x6d: {  	v21 =	vadd.f32 v13, v21;
	v20 =	vadd.f32 v17, v20;
	v2 =	vmul.f32 v3, v19;
	v52 =	vld.idx.msk [tilespmem:v12+s15+$0x0], $0xffff  }
0x6e: {  	v3 =	vmul.f32 v4, v19;
	v18 =	vadd.f32 v1, v18;
	v55 =	vld.idx.msk [tilespmem:v14+s15+$0x0], $0xffff  }
0x6f: {  	v1 =	vadd.s32 s23, v0;
	v35 =	vadd.f32 v2, v35;
	v63 =	vmul.f32 v6, v19;
	v57 =	vld.idx.msk [tilespmem:v15+s15+$0x0], $0xffff  }
0x70: {  	s24 =	sand.u32 $0x70, s23;
	s23 =	sadd.s32 $0x1, s23;
	v1 =	vand.u32 $0xF, v1;
	v38 =	vadd.f32 v3, v38;
	v62 =	vmul.f32 v7, v19;
	v61 =	vld.idx.msk [tilespmem:v16+s15+$0x0], $0xffff  }
0x71: {  	_ =	sdelay $0x2  }
0x72: {  	v1 =	vor.u32 s24, v1  }
0x73: {  	v2 =	vld.idx.msk [tilespmem:v59+s15+$0x0], $0xffff;
	v3 =	vshll.u32 v1, $0x7  }
0x74: {  	v4 =	vld.idx.msk [tilespmem:v58+s15+$0x0], $0xffff;
	v5 =	vor.u32 v27, v1  }
0x75: {  	v7 =	vld.idx.msk [tilespmem:v56+s15+$0x0], $0xffff;
	v6 =	vor.u32 v28, v1  }
0x76: {  	v9 =	vld.idx.msk [tilespmem:v54+s15+$0x0], $0xffff;
	v8 =	vor.u32 v30, v1  }
0x77: {  	v11 =	vld.idx.msk [tilespmem:v53+s15+$0x0], $0xffff;
	v10 =	vor.u32 v31, v1  }
0x78: {  	v12 =	vor.u32 v32, v1;
	v3 =	vld.idx.msk [tilespmem:v3+s11+$0x0], $0xffff  }
0x79: {  	v13 =	vor.u32 v33, v1;
	v5 =	vld.idx.msk [tilespmem:v5+s15+$0x0], $0xffff  }
0x7a: {  	v14 =	vor.u32 v36, v1;
	v6 =	vld.idx.msk [tilespmem:v6+s15+$0x0], $0xffff  }
0x7b: {  	v15 =	vor.u32 v39, v1;
	v8 =	vld.idx.msk [tilespmem:v8+s15+$0x0], $0xffff  }
0x7c: {  	v16 =	vor.u32 v43, v1;
	v10 =	vld.idx.msk [tilespmem:v10+s15+$0x0], $0xffff  }
0x7d: {  	v17 =	vor.u32 v40, v1;
	v12 =	vld.idx.msk [tilespmem:v12+s15+$0x0], $0xffff  }
0x7e: {  	v43 =	vor.u32 v44, v1;
	v13 =	vld.idx.msk [tilespmem:v13+s15+$0x0], $0xffff  }
0x7f: {  	v53 =	vadd.f32 v63, v50;
	v44 =	vor.u32 v41, v1;
	v14 =	vld.idx.msk [tilespmem:v14+s15+$0x0], $0xffff  }
0x80: {  	v54 =	vmul.f32 v60, v19;
	v58 =	vmul.f32 v51, v19;
	v30 =	vor.u32 v45, v1;
	v15 =	vld.idx.msk [tilespmem:v15+s15+$0x0], $0xffff  }
0x81: {  	v31 =	vor.u32 v42, v1;
	v56 =	vor.u32 v37, v1;
	v1 =	vor.u32 v34, v1;
	v16 =	vld.idx.msk [tilespmem:v16+s15+$0x0], $0xffff  }
0x82: {  	v59 =	vmul.f32 v52, v19;
	v60 =	vadd.f32 v62, v49;
	v62 =	vmul.f32 v55, v19;
	v17 =	vld.idx.msk [tilespmem:v17+s15+$0x0], $0xffff  }
0x83: {  	v33 =	vadd.f32 v54, v48;
	v63 =	vmul.f32 v57, v19;
	v45 =	vmul.f32 v61, v19;
	v27 =	vld.idx.msk [tilespmem:v43+s15+$0x0], $0xffff  }
0x84: {  	v34 =	vadd.f32 v58, v47;
	v2 =	vmul.f32 v2, v19;
	v28 =	vld.idx.msk [tilespmem:v44+s15+$0x0], $0xffff;
	v6 =	vmul.f32 v6, v3  }
0x85: {  	v49 =	vadd.f32 v59, v46;
	v7 =	vmul.f32 v7, v19;
	v30 =	vld.idx.msk [tilespmem:v30+s15+$0x0], $0xffff;
	v8 =	vmul.f32 v8, v3  }
0x86: {  	s22 =	sshll.u32 s22, $0x8;
	v50 =	vmul.f32 v9, v19;
	v31 =	vld.idx.msk [tilespmem:v31+s15+$0x0], $0xffff;
	v10 =	vmul.f32 v10, v3;
	v6 =	vadd.f32 v6, v35  }
0x87: {  	s22 =	sand.u32 $0x3FFFFF00, s22;
	v54 =	vadd.f32 v63, v26;
	v1 =	vld.idx.msk [tilespmem:v1+s15+$0x0], $0xffff;
	v12 =	vmul.f32 v12, v3;
	v8 =	vadd.f32 v8, v38  }
0x88: {  	v48 =	vld.idx.msk [tilespmem:v56+s15+$0x0], $0xffff;
	v13 =	vmul.f32 v13, v3;
	v10 =	vadd.f32 v10, v53;
	[tilespmem:s22+$0x10400] =	vst v6  }
0x89: {  	v11 =	vmul.f32 v11, v19;
	v51 =	vmul.f32 v14, v3;
	v12 =	vadd.f32 v12, v60;
	[tilespmem:s22+$0x10410] =	vst v8  }
0x8a: {  	v2 =	vadd.f32 v2, v24;
	v59 =	vmul.f32 v28, v3;
	v13 =	vadd.f32 v13, v33;
	[tilespmem:s22+$0x10420] =	vst v10  }
0x8b: {  	v7 =	vadd.f32 v7, v22;
	v61 =	vmul.f32 v31, v3;
	v9 =	vadd.f32 v51, v34;
	[tilespmem:s22+$0x10430] =	vst v12  }
0x8c: {  	v63 =	vadd.f32 v11, v20;
	v1 =	vmul.f32 v1, v3;
	v2 =	vadd.f32 v59, v2;
	[tilespmem:s22+$0x10440] =	vst v13  }
0x8d: {  	v53 =	vmul.f32 v15, v3;
	v7 =	vadd.f32 v61, v7;
	[tilespmem:s22+$0x10450] =	vst v9  }
0x8e: {  	v52 =	vadd.f32 v62, v29;
	v55 =	vmul.f32 v16, v3;
	v1 =	vadd.f32 v1, v63;
	[tilespmem:s22+$0x104A0] =	vst v2  }
0x8f: {  	v4 =	vmul.f32 v4, v19;
	v56 =	vmul.f32 v17, v3;
	v14 =	vadd.f32 v53, v49;
	[tilespmem:s22+$0x104C0] =	vst v7  }
0x90: {  	v57 =	vadd.f32 v45, v25;
	v58 =	vmul.f32 v27, v3;
	v8 =	vadd.f32 v55, v52;
	[tilespmem:s22+$0x104E0] =	vst v1  }
0x91: {  	v4 =	vadd.f32 v4, v23;
	v60 =	vmul.f32 v30, v3;
	v10 =	vadd.f32 v56, v54;
	[tilespmem:s22+$0x10460] =	vst v14  }
0x92: {  	p1 =	sne.s32 s21, $0x4;
	v62 =	vmul.f32 v48, v3;
	v13 =	vadd.f32 v58, v57;
	v6 =	vadd.f32 v50, v21;
	[tilespmem:s22+$0x10470] =	vst v8  }
.Ltmp1:
0x93: {  	v4 =	vadd.f32 v60, v4;
	v2 =	vmul.f32 v5, v3;
	[tilespmem:s22+$0x10480] =	vst v10;
	(pc) =	sbr.rel @p1 .LBB2_2-.Ltmp1, $4  }
0x94: {  	[tilespmem:s22+$0x10490] =	vst v13;
	v3 =	vadd.f32 v62, v6  }
0x95: {  	[tilespmem:s22+$0x104B0] =	vst v4;
	v2 =	vadd.f32 v2, v18  }
0x96: {  	[tilespmem:s22+$0x104D0] =	vst v3  }
0x97: {  	[tilespmem:s22+$0x104F0] =	vst v2;
	s22 =	smov.u32 s21  }
0x98: {  	s20 =	sadd.s32 $0x1, s20  }
0x99: {  	p1 =	sne.s32 s20, s10  }
.Ltmp2:
0x9a: {  	_ = 	snop;
	(pc) =	sbr.rel @p1 .LBB2_1-.Ltmp2, $4  }
0x9b: {  	[hbm4b:s9+s6] =	stream.linear.scatter [tilespmem:s18], [sflag:$0x6], $0x400, $0x38;
	[tilespmem:$0x14900] =	vst v63  }
0x9c: {  	_ =	swait.ge [sflag:s19], $0x400  }
0x9d: {  	[sflag:s19] =	ssyncset.done $0x0  }
0x9e: {  	[sflag:s19] =	ssyncadd.s32 $0xFFFFFC00  }
0x9f: {  	_ =	sfence.sel $0x180000  }
0xa0: {  	[bflag:$0x0] =	sbarrier.arrive $0xFFFF  }
0xa1: {  	p0 =	sne.s32 s4, $0x0;
	_ =	strace $0x90000047  }
0xa2: {  	s0 =	sadd.s32 @!p0 $0x100000, s0;
	[bflag:$0x2] =	sbarrier.arrive $0xFFFF  }
0xa3: {  	[sflag:s0] =	ssyncadd.tile.s32 @!p0 $0x1;
	_ =	shalt  }
.Lfunc_end2:
_tile_overlayer_lowered:
.L_overlay_start_2:
0xa4: {  	(tag) =	ssettag $0x2  }
0xa5: {  	s0 =	rddreg [dreg:$0x0];
	s2 =	stileid.u32  }
0xa6: {  	s1 =	rddreg [dreg:$0x1];
	p0 =	sne.s32 s2, $0x0  }
0xa7: {  	s3 =	rddreg [dreg:$0x2];
	[bflag:$0x3] =	sbarrier.arrive $0xFFFF;
	s2 =	simm.s32 @!p0 $0x1C06  }
0xa8: {  	[timem:s3], [sflag:s2] =	dma.local @!p0 [hbm:s0], s1  }
0xa9: {  	s0 =	simm.s32 @!p0 $0x6  }
0xaa: {  	_ =	swait.ge @!p0 [sflag:s0], s1  }
0xab: {  	s1 =	ssub.s32 @!p0 $0x0, s1;
	[sflag:s0] =	ssyncset.done @!p0 $0x0  }
0xac: {  	[sflag:s0] =	ssyncadd.s32 @!p0 s1  }
0xad: {  	[bflag:$0x3] =	sbarrier.arrive $0xFFFF  }
0xae: {  	_ =	shalt  }

</sc_bundles>
